<compile_context>
chip_gen: v7x
topology: tpu7x:2x2x1
jax: 0.10.2.dev20260603
libtpu: 0.0.44.dev20260713+nightly
codegen_flags: <defaults>
</compile_context>

<pallas_src>
import functools

import jax
import jax.numpy as jnp
from jax import lax
from jax.experimental import pallas as pl
from jax.experimental.pallas import tpu as pltpu
from jax.experimental.pallas import tpu_sc as plsc



def _sc_gather(packed, idx, n_rows, row_w):
    NW = 32
    rows_per_w = n_rows // NW
    STREAM = 128
    K = 10
    GROUP = K * STREAM
    NGRP = rows_per_w // GROUP

    mesh = plsc.VectorSubcoreMesh(core_axis_name="c", subcore_axis_name="s")

    @functools.partial(
        pl.kernel,
        mesh=mesh,
        out_type=jax.ShapeDtypeStruct((n_rows, row_w), jnp.float32),
        scratch_types=[
            pltpu.VMEM((rows_per_w,), jnp.int32),
            pltpu.VMEM((GROUP, row_w), jnp.float32),
            pltpu.SemaphoreType.DMA,
        ],
        compiler_params=pltpu.CompilerParams(use_tc_tiling_on_sc=False),
    )
    def gather_k(tab_hbm, idx_hbm, out_hbm, idx_v, rows_v, sem):
        cid = lax.axis_index("c")
        sid = lax.axis_index("s")
        wid = sid * 2 + cid
        base = wid * rows_per_w
        pltpu.sync_copy(idx_hbm.at[pl.ds(base, rows_per_w)], idx_v)

        def grp(g, carry):
            goff = g * GROUP
            handles = []
            for j in range(K):
                handles.append(
                    pltpu.async_copy(
                        tab_hbm.at[idx_v.at[pl.ds(goff + j * STREAM, STREAM)]],
                        rows_v.at[pl.ds(j * STREAM, STREAM)],
                        sem,
                    )
                )
            for h in handles:
                h.wait()
            pltpu.sync_copy(rows_v, out_hbm.at[pl.ds(base + goff, GROUP)])
            return carry

        lax.fori_loop(0, NGRP, grp, 0)

    return gather_k(packed, idx)



def _pack_body(cw, h, et_ref, eye_ref, o_ref, t_scr):
    chunk = et_ref[...]
    t_scr[...] = jnp.swapaxes(chunk, 0, 1)
    even = t_scr[pl.Slice(0, cw // 2, 2), :]
    odd = t_scr[pl.Slice(1, cw // 2, 2), :]
    o_ref[...] = jnp.concatenate([even, odd], axis=1)


def _tc_pack(embT, eye, V, H):
    CW = 12800
    grid = (V + CW - 1) // CW
    return pl.pallas_call(
        functools.partial(_pack_body, CW, H),
        grid=(grid,),
        in_specs=[
            pl.BlockSpec((H, CW), lambda i: (0, i)),
            pl.BlockSpec((H, H), lambda i: (0, 0)),
        ],
        out_specs=pl.BlockSpec((CW // 2, 2 * H), lambda i: (i, 0)),
        out_shape=jax.ShapeDtypeStruct((V // 2, 2 * H), jnp.float32),
        scratch_shapes=[pltpu.VMEM((CW, H), jnp.float32)],
        compiler_params=pltpu.CompilerParams(
            dimension_semantics=("arbitrary",),
        ),
    )(embT, eye)



def _gru_step_body(H, S, e_ref, w_ref, b_ref, eye_ref,
                   out_ref, hn_ref, h_scr):
    s = pl.program_id(1)

    @pl.when(s == 0)
    def _init():
        h_scr[...] = jnp.zeros_like(h_scr)

    h = h_scr[...]
    x_pair = e_ref[0]
    x_B = jax.lax.dot_general(
        eye_ref[...], x_pair, (((1,), (1,)), ((), ())),
        preferred_element_type=jnp.float32,
    )
    x_T = jnp.concatenate([x_B[0:H], x_B[H:2 * H]], axis=1)
    a = jnp.concatenate([x_T, h], axis=0)
    g = jnp.dot(w_ref[...], a, preferred_element_type=jnp.float32) + b_ref[...]
    r = jax.nn.sigmoid(g[0:H])
    z = jax.nn.sigmoid(g[H:2 * H])
    n = jnp.tanh(g[2 * H:3 * H] + r * g[3 * H:4 * H])
    h_new = (1.0 - z) * n + z * h
    h_scr[...] = h_new
    out_ref[0] = h_new

    @pl.when(s == S - 1)
    def _fin():
        hn_ref[0] = h_new


def _gru_tc(e_sbp, w2, b2, eye, B, S, H, BB):
    NB = B // BB
    body = functools.partial(_gru_step_body, H, S)
    return pl.pallas_call(
        body,
        grid=(NB, S),
        in_specs=[
            pl.BlockSpec((1, BB // 2, 2 * H), lambda b, s: (s, b, 0)),
            pl.BlockSpec((4 * H, 2 * H), lambda b, s: (0, 0)),
            pl.BlockSpec((4 * H, 1), lambda b, s: (0, 0)),
            pl.BlockSpec((2 * H, 2 * H), lambda b, s: (0, 0)),
        ],
        out_specs=[
            pl.BlockSpec((1, H, BB), lambda b, s: (s, 0, b)),
            pl.BlockSpec((1, H, BB), lambda b, s: (0, 0, b)),
        ],
        out_shape=[
            jax.ShapeDtypeStruct((S, H, B), jnp.float32),
            jax.ShapeDtypeStruct((1, H, B), jnp.float32),
        ],
        scratch_shapes=[pltpu.VMEM((H, BB), jnp.float32)],
        compiler_params=pltpu.CompilerParams(
            dimension_semantics=("parallel", "arbitrary"),
        ),
    )(e_sbp, w2, b2, eye)



def kernel(x, emb, W_ih, W_hh, b_ih, b_hh):
    B, S = x.shape
    V, H = emb.shape

    eye = jnp.eye(H, dtype=jnp.float32)
    eye2 = jnp.eye(2 * H, dtype=jnp.float32)
    table = _tc_pack(emb.T, eye, V, H).reshape(V, H)

    BB = min(4096, B)
    NB = B // BB
    BH = BB // 2
    idx = (
        x.T.reshape(S, NB, 2, BH)
        .transpose(0, 1, 3, 2)
        .reshape(-1)
        .astype(jnp.int32)
    )

    e_flat = _sc_gather(table, idx, B * S, H)
    e_sbp = e_flat.reshape(S, B // 2, 2 * H)

    zeros = jnp.zeros((H, H), jnp.float32)
    left = jnp.concatenate([W_ih[:2 * H], W_ih[2 * H:], zeros], axis=0)
    right = jnp.concatenate([W_hh[:2 * H], zeros, W_hh[2 * H:]], axis=0)
    w2 = jnp.concatenate([left, right], axis=1)
    b2 = jnp.concatenate(
        [b_ih[:2 * H] + b_hh[:2 * H], b_ih[2 * H:], b_hh[2 * H:]]
    )[:, None]

    out_shb, hn_hb = _gru_tc(e_sbp, w2, b2, eye2, B, S, H, BB)
    out = jnp.transpose(out_shb, (2, 0, 1))
    h_n = jnp.transpose(hn_hb, (0, 2, 1))
    return out, h_n

# --- scband reference (transcript-rebuilt; emitter-appended) ---
"""Pipeline reference for scband-encoder-rnn-70866960384399 (READ-ONLY COPY).

The authoritative reference and input builder live on the scoring server;
editing this copy changes nothing except your own understanding.
"""

import jax, jax.numpy as jnp
import numpy as np

B, S, V, H = 4096, 50, 1000000, 64

def setup_inputs(seed: int = 0) -> dict:
    key = jax.random.key(seed)
    ks = jax.random.split(key, 6)
    x = jax.random.randint(ks[0], (B, S), 0, V, dtype=jnp.int64 if jax.config.jax_enable_x64 else jnp.int32)
    emb = jax.random.normal(ks[1], (V, H), dtype=jnp.float32)
    s = 1.0 / np.sqrt(H)
    W_ih = jax.random.uniform(ks[2], (3 * H, H), minval=-s, maxval=s, dtype=jnp.float32)
    W_hh = jax.random.uniform(ks[3], (3 * H, H), minval=-s, maxval=s, dtype=jnp.float32)
    b_ih = jax.random.uniform(ks[4], (3 * H,), minval=-s, maxval=s, dtype=jnp.float32)
    b_hh = jax.random.uniform(ks[5], (3 * H,), minval=-s, maxval=s, dtype=jnp.float32)
    return {"x": x, "emb": emb, "W_ih": W_ih, "W_hh": W_hh, "b_ih": b_ih, "b_hh": b_hh}

def reference(x, emb, W_ih, W_hh, b_ih, b_hh):
    # embedding lookup (SparseCore gather)
    e = jnp.take(emb, x, axis=0)  # [B, S, H]
    h0 = jnp.zeros((x.shape[0], H), dtype=jnp.float32)

    def gru_cell(h, x_t):
        gi = x_t @ W_ih.T + b_ih
        gh = h @ W_hh.T + b_hh
        i_r, i_z, i_n = jnp.split(gi, 3, axis=-1)
        h_r, h_z, h_n = jnp.split(gh, 3, axis=-1)
        r = jax.nn.sigmoid(i_r + h_r)
        z = jax.nn.sigmoid(i_z + h_z)
        n = jnp.tanh(i_n + r * h_n)
        h_new = (1.0 - z) * n + z * h
        return h_new, h_new

    xs = jnp.swapaxes(e, 0, 1)  # [S, B, H]
    h_last, outs = jax.lax.scan(gru_cell, h0, xs)
    output = jnp.swapaxes(outs, 0, 1)  # [B, S, H]
    h_n = h_last[None]  # [1, B, H]
    return (output, h_n)

if __name__ == "__main__":
    import jax
    _d = setup_inputs()
    print(jax.jit(kernel)(*tuple(_d.values())))

</pallas_src>

<mosaic_0001>
#map = affine_map<(d0, d1) -> (0, 0)>
#map1 = affine_map<(d0, d1) -> (0)>
module attributes {stable_mosaic.version = 14 : i64} {
  func.func @gather_k(%arg0: i32, %arg1: i32, %arg2: memref<1000000x64xf32, #tpu.memory_space<hbm>>, %arg3: memref<204800xi32, #tpu.memory_space<hbm>>, %arg4: memref<204800x64xf32, #tpu.memory_space<hbm>>, %arg5: memref<6400xi32, #tpu.memory_space<vmem>>, %arg6: memref<1280x64xf32, #tpu.memory_space<vmem>>, %arg7: memref<!tpu.dma_semaphore, #tpu.memory_space<semaphore_mem>>) attributes {dimension_semantics = [#tpu.dimension_semantics<core_parallel>, #tpu.dimension_semantics<subcore_parallel>], iteration_bounds = array<i64: 2, 16>, scalar_prefetch = 0 : i64, scratch_operands = 3 : i64, tpu.core_type = #tpu.core_type<sc_vector_subcore>, window_params = [{transform_indices = #map}, {transform_indices = #map1}, {transform_indices = #map}]} {
    %mul3A = arith.constant 2 : i32
    %mul3A_0 = arith.muli %arg1, %mul3A : i32
    %add3A = arith.addi %mul3A_0, %arg0 : i32
    %mul3A_1 = arith.constant 6400 : i32
    %mul3A_2 = arith.muli %add3A, %mul3A_1 : i32
    "tpu.region"() ({
      %run_scoped3A = tpu.sem_alloc : memref<!tpu.dma_semaphore, #tpu.memory_space<semaphore_mem>>
      %dma_start3A = tpu.memref_slice %arg3[%mul3A_2] : memref<204800xi32, #tpu.memory_space<hbm>> -> memref<6400xi32, #tpu.memory_space<hbm>>
      %dma_start3A_8 = tpu.memref_slice %arg3[%mul3A_2] : memref<204800xi32, #tpu.memory_space<hbm>> -> memref<6400xi32, #tpu.memory_space<hbm>>
      tpu.enqueue_dma source(%dma_start3A_8 : memref<6400xi32, #tpu.memory_space<hbm>>) target(%arg5 : memref<6400xi32, #tpu.memory_space<vmem>>) target_semaphore(%run_scoped3A : memref<!tpu.dma_semaphore, #tpu.memory_space<semaphore_mem>>)
      %dma_wait3A = tpu.memref_slice %arg3[%mul3A_2] : memref<204800xi32, #tpu.memory_space<hbm>> -> memref<6400xi32, #tpu.memory_space<hbm>>
      %dma_wait3A_9 = tpu.memref_slice %arg3[%mul3A_2] : memref<204800xi32, #tpu.memory_space<hbm>> -> memref<6400xi32, #tpu.memory_space<hbm>>
      tpu.wait_dma2 semaphore(%run_scoped3A : memref<!tpu.dma_semaphore, #tpu.memory_space<semaphore_mem>>) src(%dma_wait3A_9 : memref<6400xi32, #tpu.memory_space<hbm>>) dst(%arg5 : memref<6400xi32, #tpu.memory_space<vmem>>)
      tpu.yield
    }) : () -> ()
    %scan3A = arith.constant 0 : i32
    %scan3A_3 = arith.constant 0 : i32
    %scan3A_4 = arith.constant 5 : i32
    %scan3A_5 = arith.addi %scan3A_3, %scan3A_4 : i32
    %scan3A_6 = arith.constant 1 : i32
    scf.for %scan3A_8 = %scan3A_3 to %scan3A_5 step %scan3A_6  : i32 {
      %mul3A_9 = arith.constant 1280 : i32
      %mul3A_10 = arith.muli %scan3A_8, %mul3A_9 : i32
      %add3A_11 = arith.constant 0 : i32
      %add3A_12 = arith.addi %mul3A_10, %add3A_11 : i32
      %dma_start3A = arith.constant 0 : i32
      %dma_start3A_13 = arith.constant 0 : i32
      %dma_start3A_14 = tpu.memref_slice %arg6[%dma_start3A, %dma_start3A_13] : memref<1280x64xf32, #tpu.memory_space<vmem>> -> memref<128x64xf32, #tpu.memory_space<vmem>>
      %dma_start3A_15 = tpu.memref_slice %arg5[%add3A_12] : memref<6400xi32, #tpu.memory_space<vmem>> -> memref<128xi32, #tpu.memory_space<vmem>>
      %dma_start3A_16 = arith.constant 0 : i32
      %dma_start3A_17 = arith.constant 0 : i32
      %dma_start3A_18 = tpu.memref_slice %arg2[%dma_start3A_16, %dma_start3A_17] : memref<1000000x64xf32, #tpu.memory_space<hbm>> -> memref<1000000x64xf32, #tpu.memory_space<hbm>>
      tpu.enqueue_indirect_dma source(%dma_start3A_18 : memref<1000000x64xf32, #tpu.memory_space<hbm>>) target(%dma_start3A_14 : memref<128x64xf32, #tpu.memory_space<vmem>>) offsets(%dma_start3A_15 : memref<128xi32, #tpu.memory_space<vmem>>) semaphore(%arg7 : memref<!tpu.dma_semaphore, #tpu.memory_space<semaphore_mem>>)
      %add3A_19 = arith.constant 128 : i32
      %add3A_20 = arith.addi %mul3A_10, %add3A_19 : i32
      %dma_start3A_21 = arith.constant 128 : i32
      %dma_start3A_22 = arith.constant 0 : i32
      %dma_start3A_23 = tpu.memref_slice %arg6[%dma_start3A_21, %dma_start3A_22] : memref<1280x64xf32, #tpu.memory_space<vmem>> -> memref<128x64xf32, #tpu.memory_space<vmem>>
      %dma_start3A_24 = tpu.memref_slice %arg5[%add3A_20] : memref<6400xi32, #tpu.memory_space<vmem>> -> memref<128xi32, #tpu.memory_space<vmem>>
      %dma_start3A_25 = arith.constant 0 : i32
      %dma_start3A_26 = arith.constant 0 : i32
      %dma_start3A_27 = tpu.memref_slice %arg2[%dma_start3A_25, %dma_start3A_26] : memref<1000000x64xf32, #tpu.memory_space<hbm>> -> memref<1000000x64xf32, #tpu.memory_space<hbm>>
      tpu.enqueue_indirect_dma source(%dma_start3A_27 : memref<1000000x64xf32, #tpu.memory_space<hbm>>) target(%dma_start3A_23 : memref<128x64xf32, #tpu.memory_space<vmem>>) offsets(%dma_start3A_24 : memref<128xi32, #tpu.memory_space<vmem>>) semaphore(%arg7 : memref<!tpu.dma_semaphore, #tpu.memory_space<semaphore_mem>>)
      %add3A_28 = arith.constant 256 : i32
      %add3A_29 = arith.addi %mul3A_10, %add3A_28 : i32
      %dma_start3A_30 = arith.constant 256 : i32
      %dma_start3A_31 = arith.constant 0 : i32
      %dma_start3A_32 = tpu.memref_slice %arg6[%dma_start3A_30, %dma_start3A_31] : memref<1280x64xf32, #tpu.memory_space<vmem>> -> memref<128x64xf32, #tpu.memory_space<vmem>>
      %dma_start3A_33 = tpu.memref_slice %arg5[%add3A_29] : memref<6400xi32, #tpu.memory_space<vmem>> -> memref<128xi32, #tpu.memory_space<vmem>>
      %dma_start3A_34 = arith.constant 0 : i32
      %dma_start3A_35 = arith.constant 0 : i32
      %dma_start3A_36 = tpu.memref_slice %arg2[%dma_start3A_34, %dma_start3A_35] : memref<1000000x64xf32, #tpu.memory_space<hbm>> -> memref<1000000x64xf32, #tpu.memory_space<hbm>>
      tpu.enqueue_indirect_dma source(%dma_start3A_36 : memref<1000000x64xf32, #tpu.memory_space<hbm>>) target(%dma_start3A_32 : memref<128x64xf32, #tpu.memory_space<vmem>>) offsets(%dma_start3A_33 : memref<128xi32, #tpu.memory_space<vmem>>) semaphore(%arg7 : memref<!tpu.dma_semaphore, #tpu.memory_space<semaphore_mem>>)
      %add3A_37 = arith.constant 384 : i32
      %add3A_38 = arith.addi %mul3A_10, %add3A_37 : i32
      %dma_start3A_39 = arith.constant 384 : i32
      %dma_start3A_40 = arith.constant 0 : i32
      %dma_start3A_41 = tpu.memref_slice %arg6[%dma_start3A_39, %dma_start3A_40] : memref<1280x64xf32, #tpu.memory_space<vmem>> -> memref<128x64xf32, #tpu.memory_space<vmem>>
      %dma_start3A_42 = tpu.memref_slice %arg5[%add3A_38] : memref<6400xi32, #tpu.memory_space<vmem>> -> memref<128xi32, #tpu.memory_space<vmem>>
      %dma_start3A_43 = arith.constant 0 : i32
      %dma_start3A_44 = arith.constant 0 : i32
      %dma_start3A_45 = tpu.memref_slice %arg2[%dma_start3A_43, %dma_start3A_44] : memref<1000000x64xf32, #tpu.memory_space<hbm>> -> memref<1000000x64xf32, #tpu.memory_space<hbm>>
      tpu.enqueue_indirect_dma source(%dma_start3A_45 : memref<1000000x64xf32, #tpu.memory_space<hbm>>) target(%dma_start3A_41 : memref<128x64xf32, #tpu.memory_space<vmem>>) offsets(%dma_start3A_42 : memref<128xi32, #tpu.memory_space<vmem>>) semaphore(%arg7 : memref<!tpu.dma_semaphore, #tpu.memory_space<semaphore_mem>>)
      %add3A_46 = arith.constant 512 : i32
      %add3A_47 = arith.addi %mul3A_10, %add3A_46 : i32
      %dma_start3A_48 = arith.constant 512 : i32
      %dma_start3A_49 = arith.constant 0 : i32
      %dma_start3A_50 = tpu.memref_slice %arg6[%dma_start3A_48, %dma_start3A_49] : memref<1280x64xf32, #tpu.memory_space<vmem>> -> memref<128x64xf32, #tpu.memory_space<vmem>>
      %dma_start3A_51 = tpu.memref_slice %arg5[%add3A_47] : memref<6400xi32, #tpu.memory_space<vmem>> -> memref<128xi32, #tpu.memory_space<vmem>>
      %dma_start3A_52 = arith.constant 0 : i32
      %dma_start3A_53 = arith.constant 0 : i32
      %dma_start3A_54 = tpu.memref_slice %arg2[%dma_start3A_52, %dma_start3A_53] : memref<1000000x64xf32, #tpu.memory_space<hbm>> -> memref<1000000x64xf32, #tpu.memory_space<hbm>>
      tpu.enqueue_indirect_dma source(%dma_start3A_54 : memref<1000000x64xf32, #tpu.memory_space<hbm>>) target(%dma_start3A_50 : memref<128x64xf32, #tpu.memory_space<vmem>>) offsets(%dma_start3A_51 : memref<128xi32, #tpu.memory_space<vmem>>) semaphore(%arg7 : memref<!tpu.dma_semaphore, #tpu.memory_space<semaphore_mem>>)
      %add3A_55 = arith.constant 640 : i32
      %add3A_56 = arith.addi %mul3A_10, %add3A_55 : i32
      %dma_start3A_57 = arith.constant 640 : i32
      %dma_start3A_58 = arith.constant 0 : i32
      %dma_start3A_59 = tpu.memref_slice %arg6[%dma_start3A_57, %dma_start3A_58] : memref<1280x64xf32, #tpu.memory_space<vmem>> -> memref<128x64xf32, #tpu.memory_space<vmem>>
      %dma_start3A_60 = tpu.memref_slice %arg5[%add3A_56] : memref<6400xi32, #tpu.memory_space<vmem>> -> memref<128xi32, #tpu.memory_space<vmem>>
      %dma_start3A_61 = arith.constant 0 : i32
      %dma_start3A_62 = arith.constant 0 : i32
      %dma_start3A_63 = tpu.memref_slice %arg2[%dma_start3A_61, %dma_start3A_62] : memref<1000000x64xf32, #tpu.memory_space<hbm>> -> memref<1000000x64xf32, #tpu.memory_space<hbm>>
      tpu.enqueue_indirect_dma source(%dma_start3A_63 : memref<1000000x64xf32, #tpu.memory_space<hbm>>) target(%dma_start3A_59 : memref<128x64xf32, #tpu.memory_space<vmem>>) offsets(%dma_start3A_60 : memref<128xi32, #tpu.memory_space<vmem>>) semaphore(%arg7 : memref<!tpu.dma_semaphore, #tpu.memory_space<semaphore_mem>>)
      %add3A_64 = arith.constant 768 : i32
      %add3A_65 = arith.addi %mul3A_10, %add3A_64 : i32
      %dma_start3A_66 = arith.constant 768 : i32
      %dma_start3A_67 = arith.constant 0 : i32
      %dma_start3A_68 = tpu.memref_slice %arg6[%dma_start3A_66, %dma_start3A_67] : memref<1280x64xf32, #tpu.memory_space<vmem>> -> memref<128x64xf32, #tpu.memory_space<vmem>>
      %dma_start3A_69 = tpu.memref_slice %arg5[%add3A_65] : memref<6400xi32, #tpu.memory_space<vmem>> -> memref<128xi32, #tpu.memory_space<vmem>>
      %dma_start3A_70 = arith.constant 0 : i32
      %dma_start3A_71 = arith.constant 0 : i32
      %dma_start3A_72 = tpu.memref_slice %arg2[%dma_start3A_70, %dma_start3A_71] : memref<1000000x64xf32, #tpu.memory_space<hbm>> -> memref<1000000x64xf32, #tpu.memory_space<hbm>>
      tpu.enqueue_indirect_dma source(%dma_start3A_72 : memref<1000000x64xf32, #tpu.memory_space<hbm>>) target(%dma_start3A_68 : memref<128x64xf32, #tpu.memory_space<vmem>>) offsets(%dma_start3A_69 : memref<128xi32, #tpu.memory_space<vmem>>) semaphore(%arg7 : memref<!tpu.dma_semaphore, #tpu.memory_space<semaphore_mem>>)
      %add3A_73 = arith.constant 896 : i32
      %add3A_74 = arith.addi %mul3A_10, %add3A_73 : i32
      %dma_start3A_75 = arith.constant 896 : i32
      %dma_start3A_76 = arith.constant 0 : i32
      %dma_start3A_77 = tpu.memref_slice %arg6[%dma_start3A_75, %dma_start3A_76] : memref<1280x64xf32, #tpu.memory_space<vmem>> -> memref<128x64xf32, #tpu.memory_space<vmem>>
      %dma_start3A_78 = tpu.memref_slice %arg5[%add3A_74] : memref<6400xi32, #tpu.memory_space<vmem>> -> memref<128xi32, #tpu.memory_space<vmem>>
      %dma_start3A_79 = arith.constant 0 : i32
      %dma_start3A_80 = arith.constant 0 : i32
      %dma_start3A_81 = tpu.memref_slice %arg2[%dma_start3A_79, %dma_start3A_80] : memref<1000000x64xf32, #tpu.memory_space<hbm>> -> memref<1000000x64xf32, #tpu.memory_space<hbm>>
      tpu.enqueue_indirect_dma source(%dma_start3A_81 : memref<1000000x64xf32, #tpu.memory_space<hbm>>) target(%dma_start3A_77 : memref<128x64xf32, #tpu.memory_space<vmem>>) offsets(%dma_start3A_78 : memref<128xi32, #tpu.memory_space<vmem>>) semaphore(%arg7 : memref<!tpu.dma_semaphore, #tpu.memory_space<semaphore_mem>>)
      %add3A_82 = arith.constant 1024 : i32
      %add3A_83 = arith.addi %mul3A_10, %add3A_82 : i32
      %dma_start3A_84 = arith.constant 1024 : i32
      %dma_start3A_85 = arith.constant 0 : i32
      %dma_start3A_86 = tpu.memref_slice %arg6[%dma_start3A_84, %dma_start3A_85] : memref<1280x64xf32, #tpu.memory_space<vmem>> -> memref<128x64xf32, #tpu.memory_space<vmem>>
      %dma_start3A_87 = tpu.memref_slice %arg5[%add3A_83] : memref<6400xi32, #tpu.memory_space<vmem>> -> memref<128xi32, #tpu.memory_space<vmem>>
      %dma_start3A_88 = arith.constant 0 : i32
      %dma_start3A_89 = arith.constant 0 : i32
      %dma_start3A_90 = tpu.memref_slice %arg2[%dma_start3A_88, %dma_start3A_89] : memref<1000000x64xf32, #tpu.memory_space<hbm>> -> memref<1000000x64xf32, #tpu.memory_space<hbm>>
      tpu.enqueue_indirect_dma source(%dma_start3A_90 : memref<1000000x64xf32, #tpu.memory_space<hbm>>) target(%dma_start3A_86 : memref<128x64xf32, #tpu.memory_space<vmem>>) offsets(%dma_start3A_87 : memref<128xi32, #tpu.memory_space<vmem>>) semaphore(%arg7 : memref<!tpu.dma_semaphore, #tpu.memory_space<semaphore_mem>>)
      %add3A_91 = arith.constant 1152 : i32
      %add3A_92 = arith.addi %mul3A_10, %add3A_91 : i32
      %dma_start3A_93 = arith.constant 1152 : i32
      %dma_start3A_94 = arith.constant 0 : i32
      %dma_start3A_95 = tpu.memref_slice %arg6[%dma_start3A_93, %dma_start3A_94] : memref<1280x64xf32, #tpu.memory_space<vmem>> -> memref<128x64xf32, #tpu.memory_space<vmem>>
      %dma_start3A_96 = tpu.memref_slice %arg5[%add3A_92] : memref<6400xi32, #tpu.memory_space<vmem>> -> memref<128xi32, #tpu.memory_space<vmem>>
      %dma_start3A_97 = arith.constant 0 : i32
      %dma_start3A_98 = arith.constant 0 : i32
      %dma_start3A_99 = tpu.memref_slice %arg2[%dma_start3A_97, %dma_start3A_98] : memref<1000000x64xf32, #tpu.memory_space<hbm>> -> memref<1000000x64xf32, #tpu.memory_space<hbm>>
      tpu.enqueue_indirect_dma source(%dma_start3A_99 : memref<1000000x64xf32, #tpu.memory_space<hbm>>) target(%dma_start3A_95 : memref<128x64xf32, #tpu.memory_space<vmem>>) offsets(%dma_start3A_96 : memref<128xi32, #tpu.memory_space<vmem>>) semaphore(%arg7 : memref<!tpu.dma_semaphore, #tpu.memory_space<semaphore_mem>>)
      %dma_wait3A = arith.constant 0 : i32
      %dma_wait3A_100 = arith.constant 0 : i32
      %dma_wait3A_101 = tpu.memref_slice %arg6[%dma_wait3A, %dma_wait3A_100] : memref<1280x64xf32, #tpu.memory_space<vmem>> -> memref<128x64xf32, #tpu.memory_space<vmem>>
      %dma_wait3A_102 = tpu.memref_slice %arg5[%add3A_12] : memref<6400xi32, #tpu.memory_space<vmem>> -> memref<128xi32, #tpu.memory_space<vmem>>
      %dma_wait3A_103 = arith.constant 0 : i32
      %dma_wait3A_104 = arith.constant 0 : i32
      %dma_wait3A_105 = tpu.memref_slice %arg2[%dma_wait3A_103, %dma_wait3A_104] : memref<1000000x64xf32, #tpu.memory_space<hbm>> -> memref<1000000x64xf32, #tpu.memory_space<hbm>>
      tpu.wait_indirect_dma semaphore(%arg7 : memref<!tpu.dma_semaphore, #tpu.memory_space<semaphore_mem>>) src(%dma_wait3A_105 : memref<1000000x64xf32, #tpu.memory_space<hbm>>) dst(%dma_wait3A_101 : memref<128x64xf32, #tpu.memory_space<vmem>>)
      %dma_wait3A_106 = arith.constant 128 : i32
      %dma_wait3A_107 = arith.constant 0 : i32
      %dma_wait3A_108 = tpu.memref_slice %arg6[%dma_wait3A_106, %dma_wait3A_107] : memref<1280x64xf32, #tpu.memory_space<vmem>> -> memref<128x64xf32, #tpu.memory_space<vmem>>
      %dma_wait3A_109 = tpu.memref_slice %arg5[%add3A_20] : memref<6400xi32, #tpu.memory_space<vmem>> -> memref<128xi32, #tpu.memory_space<vmem>>
      %dma_wait3A_110 = arith.constant 0 : i32
      %dma_wait3A_111 = arith.constant 0 : i32
      %dma_wait3A_112 = tpu.memref_slice %arg2[%dma_wait3A_110, %dma_wait3A_111] : memref<1000000x64xf32, #tpu.memory_space<hbm>> -> memref<1000000x64xf32, #tpu.memory_space<hbm>>
      tpu.wait_indirect_dma semaphore(%arg7 : memref<!tpu.dma_semaphore, #tpu.memory_space<semaphore_mem>>) src(%dma_wait3A_112 : memref<1000000x64xf32, #tpu.memory_space<hbm>>) dst(%dma_wait3A_108 : memref<128x64xf32, #tpu.memory_space<vmem>>)
      %dma_wait3A_113 = arith.constant 256 : i32
      %dma_wait3A_114 = arith.constant 0 : i32
      %dma_wait3A_115 = tpu.memref_slice %arg6[%dma_wait3A_113, %dma_wait3A_114] : memref<1280x64xf32, #tpu.memory_space<vmem>> -> memref<128x64xf32, #tpu.memory_space<vmem>>
      %dma_wait3A_116 = tpu.memref_slice %arg5[%add3A_29] : memref<6400xi32, #tpu.memory_space<vmem>> -> memref<128xi32, #tpu.memory_space<vmem>>
      %dma_wait3A_117 = arith.constant 0 : i32
      %dma_wait3A_118 = arith.constant 0 : i32
      %dma_wait3A_119 = tpu.memref_slice %arg2[%dma_wait3A_117, %dma_wait3A_118] : memref<1000000x64xf32, #tpu.memory_space<hbm>> -> memref<1000000x64xf32, #tpu.memory_space<hbm>>
      tpu.wait_indirect_dma semaphore(%arg7 : memref<!tpu.dma_semaphore, #tpu.memory_space<semaphore_mem>>) src(%dma_wait3A_119 : memref<1000000x64xf32, #tpu.memory_space<hbm>>) dst(%dma_wait3A_115 : memref<128x64xf32, #tpu.memory_space<vmem>>)
      %dma_wait3A_120 = arith.constant 384 : i32
      %dma_wait3A_121 = arith.constant 0 : i32
      %dma_wait3A_122 = tpu.memref_slice %arg6[%dma_wait3A_120, %dma_wait3A_121] : memref<1280x64xf32, #tpu.memory_space<vmem>> -> memref<128x64xf32, #tpu.memory_space<vmem>>
      %dma_wait3A_123 = tpu.memref_slice %arg5[%add3A_38] : memref<6400xi32, #tpu.memory_space<vmem>> -> memref<128xi32, #tpu.memory_space<vmem>>
      %dma_wait3A_124 = arith.constant 0 : i32
      %dma_wait3A_125 = arith.constant 0 : i32
      %dma_wait3A_126 = tpu.memref_slice %arg2[%dma_wait3A_124, %dma_wait3A_125] : memref<1000000x64xf32, #tpu.memory_space<hbm>> -> memref<1000000x64xf32, #tpu.memory_space<hbm>>
      tpu.wait_indirect_dma semaphore(%arg7 : memref<!tpu.dma_semaphore, #tpu.memory_space<semaphore_mem>>) src(%dma_wait3A_126 : memref<1000000x64xf32, #tpu.memory_space<hbm>>) dst(%dma_wait3A_122 : memref<128x64xf32, #tpu.memory_space<vmem>>)
      %dma_wait3A_127 = arith.constant 512 : i32
      %dma_wait3A_128 = arith.constant 0 : i32
      %dma_wait3A_129 = tpu.memref_slice %arg6[%dma_wait3A_127, %dma_wait3A_128] : memref<1280x64xf32, #tpu.memory_space<vmem>> -> memref<128x64xf32, #tpu.memory_space<vmem>>
      %dma_wait3A_130 = tpu.memref_slice %arg5[%add3A_47] : memref<6400xi32, #tpu.memory_space<vmem>> -> memref<128xi32, #tpu.memory_space<vmem>>
      %dma_wait3A_131 = arith.constant 0 : i32
      %dma_wait3A_132 = arith.constant 0 : i32
      %dma_wait3A_133 = tpu.memref_slice %arg2[%dma_wait3A_131, %dma_wait3A_132] : memref<1000000x64xf32, #tpu.memory_space<hbm>> -> memref<1000000x64xf32, #tpu.memory_space<hbm>>
      tpu.wait_indirect_dma semaphore(%arg7 : memref<!tpu.dma_semaphore, #tpu.memory_space<semaphore_mem>>) src(%dma_wait3A_133 : memref<1000000x64xf32, #tpu.memory_space<hbm>>) dst(%dma_wait3A_129 : memref<128x64xf32, #tpu.memory_space<vmem>>)
      %dma_wait3A_134 = arith.constant 640 : i32
      %dma_wait3A_135 = arith.constant 0 : i32
      %dma_wait3A_136 = tpu.memref_slice %arg6[%dma_wait3A_134, %dma_wait3A_135] : memref<1280x64xf32, #tpu.memory_space<vmem>> -> memref<128x64xf32, #tpu.memory_space<vmem>>
      %dma_wait3A_137 = tpu.memref_slice %arg5[%add3A_56] : memref<6400xi32, #tpu.memory_space<vmem>> -> memref<128xi32, #tpu.memory_space<vmem>>
      %dma_wait3A_138 = arith.constant 0 : i32
      %dma_wait3A_139 = arith.constant 0 : i32
      %dma_wait3A_140 = tpu.memref_slice %arg2[%dma_wait3A_138, %dma_wait3A_139] : memref<1000000x64xf32, #tpu.memory_space<hbm>> -> memref<1000000x64xf32, #tpu.memory_space<hbm>>
      tpu.wait_indirect_dma semaphore(%arg7 : memref<!tpu.dma_semaphore, #tpu.memory_space<semaphore_mem>>) src(%dma_wait3A_140 : memref<1000000x64xf32, #tpu.memory_space<hbm>>) dst(%dma_wait3A_136 : memref<128x64xf32, #tpu.memory_space<vmem>>)
      %dma_wait3A_141 = arith.constant 768 : i32
      %dma_wait3A_142 = arith.constant 0 : i32
      %dma_wait3A_143 = tpu.memref_slice %arg6[%dma_wait3A_141, %dma_wait3A_142] : memref<1280x64xf32, #tpu.memory_space<vmem>> -> memref<128x64xf32, #tpu.memory_space<vmem>>
      %dma_wait3A_144 = tpu.memref_slice %arg5[%add3A_65] : memref<6400xi32, #tpu.memory_space<vmem>> -> memref<128xi32, #tpu.memory_space<vmem>>
      %dma_wait3A_145 = arith.constant 0 : i32
      %dma_wait3A_146 = arith.constant 0 : i32
      %dma_wait3A_147 = tpu.memref_slice %arg2[%dma_wait3A_145, %dma_wait3A_146] : memref<1000000x64xf32, #tpu.memory_space<hbm>> -> memref<1000000x64xf32, #tpu.memory_space<hbm>>
      tpu.wait_indirect_dma semaphore(%arg7 : memref<!tpu.dma_semaphore, #tpu.memory_space<semaphore_mem>>) src(%dma_wait3A_147 : memref<1000000x64xf32, #tpu.memory_space<hbm>>) dst(%dma_wait3A_143 : memref<128x64xf32, #tpu.memory_space<vmem>>)
      %dma_wait3A_148 = arith.constant 896 : i32
      %dma_wait3A_149 = arith.constant 0 : i32
      %dma_wait3A_150 = tpu.memref_slice %arg6[%dma_wait3A_148, %dma_wait3A_149] : memref<1280x64xf32, #tpu.memory_space<vmem>> -> memref<128x64xf32, #tpu.memory_space<vmem>>
      %dma_wait3A_151 = tpu.memref_slice %arg5[%add3A_74] : memref<6400xi32, #tpu.memory_space<vmem>> -> memref<128xi32, #tpu.memory_space<vmem>>
      %dma_wait3A_152 = arith.constant 0 : i32
      %dma_wait3A_153 = arith.constant 0 : i32
      %dma_wait3A_154 = tpu.memref_slice %arg2[%dma_wait3A_152, %dma_wait3A_153] : memref<1000000x64xf32, #tpu.memory_space<hbm>> -> memref<1000000x64xf32, #tpu.memory_space<hbm>>
      tpu.wait_indirect_dma semaphore(%arg7 : memref<!tpu.dma_semaphore, #tpu.memory_space<semaphore_mem>>) src(%dma_wait3A_154 : memref<1000000x64xf32, #tpu.memory_space<hbm>>) dst(%dma_wait3A_150 : memref<128x64xf32, #tpu.memory_space<vmem>>)
      %dma_wait3A_155 = arith.constant 1024 : i32
      %dma_wait3A_156 = arith.constant 0 : i32
      %dma_wait3A_157 = tpu.memref_slice %arg6[%dma_wait3A_155, %dma_wait3A_156] : memref<1280x64xf32, #tpu.memory_space<vmem>> -> memref<128x64xf32, #tpu.memory_space<vmem>>
      %dma_wait3A_158 = tpu.memref_slice %arg5[%add3A_83] : memref<6400xi32, #tpu.memory_space<vmem>> -> memref<128xi32, #tpu.memory_space<vmem>>
      %dma_wait3A_159 = arith.constant 0 : i32
      %dma_wait3A_160 = arith.constant 0 : i32
      %dma_wait3A_161 = tpu.memref_slice %arg2[%dma_wait3A_159, %dma_wait3A_160] : memref<1000000x64xf32, #tpu.memory_space<hbm>> -> memref<1000000x64xf32, #tpu.memory_space<hbm>>
      tpu.wait_indirect_dma semaphore(%arg7 : memref<!tpu.dma_semaphore, #tpu.memory_space<semaphore_mem>>) src(%dma_wait3A_161 : memref<1000000x64xf32, #tpu.memory_space<hbm>>) dst(%dma_wait3A_157 : memref<128x64xf32, #tpu.memory_space<vmem>>)
      %dma_wait3A_162 = arith.constant 1152 : i32
      %dma_wait3A_163 = arith.constant 0 : i32
      %dma_wait3A_164 = tpu.memref_slice %arg6[%dma_wait3A_162, %dma_wait3A_163] : memref<1280x64xf32, #tpu.memory_space<vmem>> -> memref<128x64xf32, #tpu.memory_space<vmem>>
      %dma_wait3A_165 = tpu.memref_slice %arg5[%add3A_92] : memref<6400xi32, #tpu.memory_space<vmem>> -> memref<128xi32, #tpu.memory_space<vmem>>
      %dma_wait3A_166 = arith.constant 0 : i32
      %dma_wait3A_167 = arith.constant 0 : i32
      %dma_wait3A_168 = tpu.memref_slice %arg2[%dma_wait3A_166, %dma_wait3A_167] : memref<1000000x64xf32, #tpu.memory_space<hbm>> -> memref<1000000x64xf32, #tpu.memory_space<hbm>>
      tpu.wait_indirect_dma semaphore(%arg7 : memref<!tpu.dma_semaphore, #tpu.memory_space<semaphore_mem>>) src(%dma_wait3A_168 : memref<1000000x64xf32, #tpu.memory_space<hbm>>) dst(%dma_wait3A_164 : memref<128x64xf32, #tpu.memory_space<vmem>>)
      %add3A_169 = arith.addi %mul3A_2, %mul3A_10 : i32
      "tpu.region"() ({
        %run_scoped3A = tpu.sem_alloc : memref<!tpu.dma_semaphore, #tpu.memory_space<semaphore_mem>>
        %dma_start3A_170 = arith.constant 0 : i32
        %dma_start3A_171 = tpu.memref_slice %arg4[%add3A_169, %dma_start3A_170] : memref<204800x64xf32, #tpu.memory_space<hbm>> -> memref<1280x64xf32, #tpu.memory_space<hbm>>
        %dma_start3A_172 = arith.constant 0 : i32
        %dma_start3A_173 = tpu.memref_slice %arg4[%add3A_169, %dma_start3A_172] : memref<204800x64xf32, #tpu.memory_space<hbm>> -> memref<1280x64xf32, #tpu.memory_space<hbm>>
        tpu.enqueue_dma source(%arg6 : memref<1280x64xf32, #tpu.memory_space<vmem>>) target(%dma_start3A_173 : memref<1280x64xf32, #tpu.memory_space<hbm>>) target_semaphore(%run_scoped3A : memref<!tpu.dma_semaphore, #tpu.memory_space<semaphore_mem>>)
        %dma_wait3A_174 = arith.constant 0 : i32
        %dma_wait3A_175 = tpu.memref_slice %arg4[%add3A_169, %dma_wait3A_174] : memref<204800x64xf32, #tpu.memory_space<hbm>> -> memref<1280x64xf32, #tpu.memory_space<hbm>>
        %dma_wait3A_176 = arith.constant 0 : i32
        %dma_wait3A_177 = tpu.memref_slice %arg4[%add3A_169, %dma_wait3A_176] : memref<204800x64xf32, #tpu.memory_space<hbm>> -> memref<1280x64xf32, #tpu.memory_space<hbm>>
        tpu.wait_dma2 semaphore(%run_scoped3A : memref<!tpu.dma_semaphore, #tpu.memory_space<semaphore_mem>>) src(%arg6 : memref<1280x64xf32, #tpu.memory_space<vmem>>) dst(%dma_wait3A_177 : memref<1280x64xf32, #tpu.memory_space<hbm>>)
        tpu.yield
      }) : () -> ()
    }
    %scan3A_7 = arith.constant 5 : i32
    return
  }
}

module attributes {stable_mosaic.version = 14 : i64} {
  func.func @_pack_body(%arg0: i32, %arg1: memref<64x12800xf32, #tpu.memory_space<vmem>>, %arg2: memref<64x64xf32, #tpu.memory_space<vmem>>, %arg3: memref<6400x128xf32, #tpu.memory_space<vmem>>, %arg4: memref<12800x64xf32, #tpu.memory_space<vmem>>) attributes {dimension_semantics = [#tpu.dimension_semantics<arbitrary>], iteration_bounds = array<i64: 79>, scalar_prefetch = 0 : i64, scratch_operands = 1 : i64, tpu.core_type = #tpu.core_type<tc>, window_params = [{transform_indices = @transform_0, window_bounds = array<i64: 64, 12800>}, {pipeline_mode = #tpu.pipeline_mode<synchronous>, transform_indices = @transform_1, window_bounds = array<i64: 64, 64>}, {transform_indices = @transform_2, window_bounds = array<i64: 6400, 128>}]} {
    %get3A = arith.constant 0 : index
    %get3A_0 = arith.constant 0 : index
    %get3A_1 = vector.load %arg1[%get3A, %get3A_0] : memref<64x12800xf32, #tpu.memory_space<vmem>>, vector<64x12800xf32>
    %transpose3A = tpu.transpose %get3A_1, [1, 0] : vector<64x12800xf32> -> vector<12800x64xf32>
    %swap3A = arith.constant 0 : index
    %swap3A_2 = arith.constant 0 : index
    %swap3A_3 = vector.load %arg4[%swap3A, %swap3A_2] : memref<12800x64xf32, #tpu.memory_space<vmem>>, vector<12800x64xf32>
    tpu.vector_store %arg4[%swap3A, %swap3A_2], %transpose3A {strides = array<i32>} : memref<12800x64xf32, #tpu.memory_space<vmem>>, vector<12800x64xf32>,
    %get3A_4 = arith.constant 0 : index
    %get3A_5 = arith.constant 0 : index
    %get3A_6 = tpu.strided_load %arg4[%get3A_4, %get3A_5] {strides = array<i32: 2, 1>} : memref<12800x64xf32, #tpu.memory_space<vmem>>, vector<6400x64xf32>
    %get3A_7 = arith.constant 1 : index
    %get3A_8 = arith.constant 0 : index
    %get3A_9 = tpu.strided_load %arg4[%get3A_7, %get3A_8] {strides = array<i32: 2, 1>} : memref<12800x64xf32, #tpu.memory_space<vmem>>, vector<6400x64xf32>
    %concatenate3A = tpu.concatenate %get3A_6, %get3A_9 in 1 : vector<6400x64xf32>, vector<6400x64xf32> -> vector<6400x128xf32>
    %swap3A_10 = arith.constant 0 : index
    %swap3A_11 = arith.constant 0 : index
    %swap3A_12 = vector.load %arg3[%swap3A_10, %swap3A_11] : memref<6400x128xf32, #tpu.memory_space<vmem>>, vector<6400x128xf32>
    tpu.vector_store %arg3[%swap3A_10, %swap3A_11], %concatenate3A {strides = array<i32>} : memref<6400x128xf32, #tpu.memory_space<vmem>>, vector<6400x128xf32>,
    return
  }
  func.func @transform_0(%arg0: i32) -> (i32, i32) {
    %c0_i32 = arith.constant 0 : i32
    %c0_i32_0 = arith.constant 0 : i32
    return %c0_i32, %arg0 : i32, i32
  }
  func.func @transform_1(%arg0: i32) -> (i32, i32) {
    %c0_i32 = arith.constant 0 : i32
    %c0_i32_0 = arith.constant 0 : i32
    %c0_i32_1 = arith.constant 0 : i32
    return %c0_i32, %c0_i32_0 : i32, i32
  }
  func.func @transform_2(%arg0: i32) -> (i32, i32) {
    %c0_i32 = arith.constant 0 : i32
    %c0_i32_0 = arith.constant 0 : i32
    return %arg0, %c0_i32 : i32, i32
  }
}

module attributes {stable_mosaic.version = 14 : i64} {
  func.func @_gru_step_body(%arg0: i32, %arg1: i32, %arg2: memref<1x2048x128xf32, #tpu.memory_space<vmem>>, %arg3: memref<256x128xf32, #tpu.memory_space<vmem>>, %arg4: memref<256x1xf32, #tpu.memory_space<vmem>>, %arg5: memref<128x128xf32, #tpu.memory_space<vmem>>, %arg6: memref<1x64x4096xf32, #tpu.memory_space<vmem>>, %arg7: memref<1x64x4096xf32, #tpu.memory_space<vmem>>, %arg8: memref<64x4096xf32, #tpu.memory_space<vmem>>) attributes {dimension_semantics = [#tpu.dimension_semantics<parallel>, #tpu.dimension_semantics<arbitrary>], iteration_bounds = array<i64: 1, 50>, scalar_prefetch = 0 : i64, scratch_operands = 1 : i64, tpu.core_type = #tpu.core_type<tc>, window_params = [{transform_indices = @transform_0, window_bounds = array<i64: 1, 2048, 128>}, {pipeline_mode = #tpu.pipeline_mode<synchronous>, transform_indices = @transform_1, window_bounds = array<i64: 256, 128>}, {pipeline_mode = #tpu.pipeline_mode<synchronous>, transform_indices = @transform_2, window_bounds = array<i64: 256, 1>}, {pipeline_mode = #tpu.pipeline_mode<synchronous>, transform_indices = @transform_3, window_bounds = array<i64: 128, 128>}, {transform_indices = @transform_4, window_bounds = array<i64: 1, 64, 4096>}, {transform_indices = @transform_5, window_bounds = array<i64: 1, 64, 4096>}]} {
    %eq3A = arith.constant 0 : i32
    %eq3A_0 = arith.cmpi eq, %arg1, %eq3A : i32
    %convert_element_type3A = arith.extui %eq3A_0 : i1 to i32
    %cond3A = arith.constant 0 : i32
    %cond3A_1 = arith.cmpi ne, %convert_element_type3A, %cond3A : i32
    scf.if %cond3A_1 {
      %broadcast_in_dim3A = arith.constant 0.000000e+00 : f32
      %broadcast_in_dim3A_58 = vector.broadcast %broadcast_in_dim3A : f32 to vector<64x4096xf32>
      %swap3A_59 = arith.constant 0 : index
      %swap3A_60 = arith.constant 0 : index
      %swap3A_61 = vector.load %arg8[%swap3A_59, %swap3A_60] : memref<64x4096xf32, #tpu.memory_space<vmem>>, vector<64x4096xf32>
      tpu.vector_store %arg8[%swap3A_59, %swap3A_60], %broadcast_in_dim3A_58 {strides = array<i32>} : memref<64x4096xf32, #tpu.memory_space<vmem>>, vector<64x4096xf32>,
    } else {
    }
    %get3A = arith.constant 0 : index
    %get3A_2 = arith.constant 0 : index
    %get3A_3 = vector.load %arg8[%get3A, %get3A_2] : memref<64x4096xf32, #tpu.memory_space<vmem>>, vector<64x4096xf32>
    %get3A_4 = arith.constant 0 : index
    %get3A_5 = arith.constant 0 : index
    %get3A_6 = arith.constant 0 : index
    %get3A_7 = vector.load %arg2[%get3A_4, %get3A_5, %get3A_6] : memref<1x2048x128xf32, #tpu.memory_space<vmem>>, vector<1x2048x128xf32>
    %get3A_8 = vector.shape_cast %get3A_7 : vector<1x2048x128xf32> to vector<2048x128xf32>
    %get3A_9 = arith.constant 0 : index
    %get3A_10 = arith.constant 0 : index
    %get3A_11 = vector.load %arg5[%get3A_9, %get3A_10] : memref<128x128xf32, #tpu.memory_space<vmem>>, vector<128x128xf32>
    %dot_general3A = arith.constant dense<0.000000e+00> : vector<128x2048xf32>
    %dot_general3A_12 = tpu.matmul %get3A_11, %get3A_8, %dot_general3A {dimension_numbers = #tpu.dot_dimension_numbers<[1], [1], [0], [0], [0, 0, 1, 0], [], []>, transpose_lhs_hint = false} : vector<128x128xf32>, vector<2048x128xf32>, vector<128x2048xf32> -> vector<128x2048xf32>
    %slice3A = vector.extract_strided_slice %dot_general3A_12 {offsets = [0, 0], sizes = [64, 2048], strides = [1, 1]} : vector<128x2048xf32> to vector<64x2048xf32>
    %slice3A_13 = vector.extract_strided_slice %dot_general3A_12 {offsets = [64, 0], sizes = [64, 2048], strides = [1, 1]} : vector<128x2048xf32> to vector<64x2048xf32>
    %concatenate3A = tpu.concatenate %slice3A, %slice3A_13 in 1 : vector<64x2048xf32>, vector<64x2048xf32> -> vector<64x4096xf32>
    %concatenate3A_14 = tpu.concatenate %concatenate3A, %get3A_3 in 0 : vector<64x4096xf32>, vector<64x4096xf32> -> vector<128x4096xf32>
    %get3A_15 = arith.constant 0 : index
    %get3A_16 = arith.constant 0 : index
    %get3A_17 = vector.load %arg3[%get3A_15, %get3A_16] : memref<256x128xf32, #tpu.memory_space<vmem>>, vector<256x128xf32>
    %dot_general3A_18 = arith.constant dense<0.000000e+00> : vector<256x4096xf32>
    %dot_general3A_19 = tpu.matmul %get3A_17, %concatenate3A_14, %dot_general3A_18 {dimension_numbers = #tpu.dot_dimension_numbers<[1], [0], [0], [1], [0, 0, 1, 1], [], []>, transpose_lhs_hint = false} : vector<256x128xf32>, vector<128x4096xf32>, vector<256x4096xf32> -> vector<256x4096xf32>
    %get3A_20 = arith.constant 0 : index
    %get3A_21 = arith.constant 0 : index
    %get3A_22 = vector.load %arg4[%get3A_20, %get3A_21] : memref<256x1xf32, #tpu.memory_space<vmem>>, vector<256x1xf32>
    %add3A = vector.broadcast %get3A_22 : vector<256x1xf32> to vector<256x4096xf32>
    %add3A_23 = arith.addf %dot_general3A_19, %add3A : vector<256x4096xf32>
    %slice3A_24 = vector.extract_strided_slice %add3A_23 {offsets = [0, 0], sizes = [64, 4096], strides = [1, 1]} : vector<256x4096xf32> to vector<64x4096xf32>
    %logistic3A = arith.negf %slice3A_24 : vector<64x4096xf32>
    %logistic3A_25 = math.exp %logistic3A : vector<64x4096xf32>
    %logistic3A_26 = arith.constant 1.000000e+00 : f32
    %logistic3A_27 = vector.broadcast %logistic3A_26 : f32 to vector<64x4096xf32>
    %logistic3A_28 = arith.addf %logistic3A_27, %logistic3A_25 : vector<64x4096xf32>
    %logistic3A_29 = arith.divf %logistic3A_27, %logistic3A_28 : vector<64x4096xf32>
    %slice3A_30 = vector.extract_strided_slice %add3A_23 {offsets = [64, 0], sizes = [64, 4096], strides = [1, 1]} : vector<256x4096xf32> to vector<64x4096xf32>
    %logistic3A_31 = arith.negf %slice3A_30 : vector<64x4096xf32>
    %logistic3A_32 = math.exp %logistic3A_31 : vector<64x4096xf32>
    %logistic3A_33 = arith.constant 1.000000e+00 : f32
    %logistic3A_34 = vector.broadcast %logistic3A_33 : f32 to vector<64x4096xf32>
    %logistic3A_35 = arith.addf %logistic3A_34, %logistic3A_32 : vector<64x4096xf32>
    %logistic3A_36 = arith.divf %logistic3A_34, %logistic3A_35 : vector<64x4096xf32>
    %slice3A_37 = vector.extract_strided_slice %add3A_23 {offsets = [128, 0], sizes = [64, 4096], strides = [1, 1]} : vector<256x4096xf32> to vector<64x4096xf32>
    %slice3A_38 = vector.extract_strided_slice %add3A_23 {offsets = [192, 0], sizes = [64, 4096], strides = [1, 1]} : vector<256x4096xf32> to vector<64x4096xf32>
    %mul3A = arith.mulf %logistic3A_29, %slice3A_38 : vector<64x4096xf32>
    %add3A_39 = arith.addf %slice3A_37, %mul3A : vector<64x4096xf32>
    %tanh3A = math.tanh %add3A_39 : vector<64x4096xf32>
    %sub3A = arith.constant 1.000000e+00 : f32
    %sub3A_40 = vector.broadcast %sub3A : f32 to vector<64x4096xf32>
    %sub3A_41 = arith.subf %sub3A_40, %logistic3A_36 : vector<64x4096xf32>
    %mul3A_42 = arith.mulf %sub3A_41, %tanh3A : vector<64x4096xf32>
    %mul3A_43 = arith.mulf %logistic3A_36, %get3A_3 : vector<64x4096xf32>
    %add3A_44 = arith.addf %mul3A_42, %mul3A_43 : vector<64x4096xf32>
    %swap3A = arith.constant 0 : index
    %swap3A_45 = arith.constant 0 : index
    %swap3A_46 = vector.load %arg8[%swap3A, %swap3A_45] : memref<64x4096xf32, #tpu.memory_space<vmem>>, vector<64x4096xf32>
    tpu.vector_store %arg8[%swap3A, %swap3A_45], %add3A_44 {strides = array<i32>} : memref<64x4096xf32, #tpu.memory_space<vmem>>, vector<64x4096xf32>,
    %swap3A_47 = arith.constant 0 : index
    %swap3A_48 = arith.constant 0 : index
    %swap3A_49 = arith.constant 0 : index
    %swap3A_50 = vector.load %arg6[%swap3A_47, %swap3A_48, %swap3A_49] : memref<1x64x4096xf32, #tpu.memory_space<vmem>>, vector<1x64x4096xf32>
    %swap3A_51 = vector.shape_cast %swap3A_50 : vector<1x64x4096xf32> to vector<64x4096xf32>
    %swap3A_52 = vector.shape_cast %add3A_44 : vector<64x4096xf32> to vector<1x64x4096xf32>
    tpu.vector_store %arg6[%swap3A_47, %swap3A_48, %swap3A_49], %swap3A_52 {strides = array<i32>} : memref<1x64x4096xf32, #tpu.memory_space<vmem>>, vector<1x64x4096xf32>,
    %eq3A_53 = arith.constant 49 : i32
    %eq3A_54 = arith.cmpi eq, %arg1, %eq3A_53 : i32
    %convert_element_type3A_55 = arith.extui %eq3A_54 : i1 to i32
    %cond3A_56 = arith.constant 0 : i32
    %cond3A_57 = arith.cmpi ne, %convert_element_type3A_55, %cond3A_56 : i32
    scf.if %cond3A_57 {
      %swap3A_58 = arith.constant 0 : index
      %swap3A_59 = arith.constant 0 : index
      %swap3A_60 = arith.constant 0 : index
      %swap3A_61 = vector.load %arg7[%swap3A_58, %swap3A_59, %swap3A_60] : memref<1x64x4096xf32, #tpu.memory_space<vmem>>, vector<1x64x4096xf32>
      %swap3A_62 = vector.shape_cast %swap3A_61 : vector<1x64x4096xf32> to vector<64x4096xf32>
      %swap3A_63 = vector.shape_cast %add3A_44 : vector<64x4096xf32> to vector<1x64x4096xf32>
      tpu.vector_store %arg7[%swap3A_58, %swap3A_59, %swap3A_60], %swap3A_63 {strides = array<i32>} : memref<1x64x4096xf32, #tpu.memory_space<vmem>>, vector<1x64x4096xf32>,
    } else {
    }
    return
  }
  func.func @transform_0(%arg0: i32, %arg1: i32) -> (i32, i32, i32) {
    %c0_i32 = arith.constant 0 : i32
    %c0_i32_0 = arith.constant 0 : i32
    return %arg1, %arg0, %c0_i32 : i32, i32, i32
  }
  func.func @transform_1(%arg0: i32, %arg1: i32) -> (i32, i32) {
    %c0_i32 = arith.constant 0 : i32
    %c0_i32_0 = arith.constant 0 : i32
    %c0_i32_1 = arith.constant 0 : i32
    return %c0_i32, %c0_i32_0 : i32, i32
  }
  func.func @transform_2(%arg0: i32, %arg1: i32) -> (i32, i32) {
    %c0_i32 = arith.constant 0 : i32
    %c0_i32_0 = arith.constant 0 : i32
    %c0_i32_1 = arith.constant 0 : i32
    return %c0_i32, %c0_i32_0 : i32, i32
  }
  func.func @transform_3(%arg0: i32, %arg1: i32) -> (i32, i32) {
    %c0_i32 = arith.constant 0 : i32
    %c0_i32_0 = arith.constant 0 : i32
    %c0_i32_1 = arith.constant 0 : i32
    return %c0_i32, %c0_i32_0 : i32, i32
  }
  func.func @transform_4(%arg0: i32, %arg1: i32) -> (i32, i32, i32) {
    %c0_i32 = arith.constant 0 : i32
    %c0_i32_0 = arith.constant 0 : i32
    return %arg1, %c0_i32, %arg0 : i32, i32, i32
  }
  func.func @transform_5(%arg0: i32, %arg1: i32) -> (i32, i32, i32) {
    %c0_i32 = arith.constant 0 : i32
    %c0_i32_0 = arith.constant 0 : i32
    %c0_i32_1 = arith.constant 0 : i32
    return %c0_i32, %c0_i32_0, %arg0 : i32, i32, i32
  }
}

</mosaic_0001>

<sc_bundles>
// kernel: kernel.5.cloned.1.call-start
scs
__scs_entry_jumppad:
0x0: {  	(pc) =	sbr.rel $0x88, $3  }
0x1: {  	(tag) =	ssettag $0x0;
	lr =	simm.s32 $0x1  }
0x2: {  	[smem:$0x3F9B] =	sst lr;
	_ =	strace $0xD0000000  }
0x3: {  	_ = 	snop  }
0x4: {  	_ = 	snop  }
0x5: {  	_ = 	snop  }
0x6: {  	_ = 	snop  }
0x7: {  	_ = 	snop  }
__scs_overlays_trampoline_lowered:
0x8: {  	[smem:$0x3FAA] =	sst s0  }
0x9: {  	[smem:$0x3FAB] =	sst s1  }
0xa: {  	[smem:$0x3FAC] =	sst s2  }
0xb: {  	[smem:$0x3FAD] =	sst s3  }
0xc: {  	[smem:$0x3FAE] =	sst s4  }
0xd: {  	[smem:$0x3FAF] =	sst s5  }
0xe: {  	[smem:$0x3FB0] =	sst s6  }
0xf: {  	[smem:$0x3FB1] =	sst s7  }
0x10: {  	[smem:$0x3FB2] =	sst s8  }
0x11: {  	[smem:$0x3FB3] =	sst s9;
	s0 =	simm.s32 @!p0 $0x0  }
0x12: {  	s1 =	sld [smem:$0x3F99];
	s0 =	simm.s32 @p0 $0x1  }
0x13: {  	[smem:$0x3FB4] =	sst s0;
	s0 =	simm.s32 @!p1 $0x0  }
0x14: {  	s2 =	sld [smem:$0x3F98];
	s0 =	simm.s32 @p1 $0x1  }
0x15: {  	[smem:$0x3FB5] =	sst s0;
	s0 =	simm.s32 @!p2 $0x0  }
0x16: {  	s3 =	sld [smem:$0x3FDB];
	s0 =	simm.s32 @p2 $0x1  }
0x17: {  	s4 =	simm.s32 $0x1BF5;
	[smem:$0x3FB7] =	sst s0  }
0x18: {  	s0 =	sld [smem:$0x3F9A];
	_ =	swait.ge [sflag:s4], $0x0  }
0x19: {  	s7 =	sld [smem:$0x3F9B]  }
0x1a: {  	s8 =	sadd.s32 $0xFFFFE003, lr  }
0x1b: {  	s9 =	sadd.s32 $0xFFFFFEF7, lr;
	s5 =	simm.s32 $0xFFFFFFFF;
	p2 =	slt.u32 s8, $0xFFFFF086  }
0x1c: {  	p1 =	slt.u32 s9, $0xF7A;
	s5 =	simm.s32 @!p2 $0x0  }
0x1d: {  	s5 =	simm.s32 @p1 $0x1;
	p0 =	seq.s32 s7, s2  }
0x1e: {  	s7 =	smul.u32 @!p0 $0xF7A, s2;
	p2 =	seq.s32 @!p0 s5, $0x0  }
0x1f: {  	s9 =	smul.u32 $0xF7A, s1;
	s8 =	simm.s32 @!p0 $0x1BF5;
	p2 =	por !p2, p0  }
0x20: {  	[sflag:s8] =	ssyncset.s32 @!p0 $0xFFFFF086;
	s6 =	sadd.s32 @!p0 s3, s7;
	s7 =	simm.s32 @!p0 $0x108  }
0x21: {  	s3 =	sadd.s32 s3, s9;
	s6 =	sadd.s32 @!p0 $0x88, s6;
	s7 =	simm.s32 @p2 $0x1082  }
0x22: {  	[simem:s7], [sflag:s8] =	dma.local @!p0 [hbm:s6], $0xF7A  }
0x23: {  	s9 =	sor.u32 $0xD0000000, s2;
	s6 =	simm.s32 $0x108;
	_ =	swait.ge @!p0 [sflag:s8], $0x0  }
0x24: {  	s3 =	sadd.s32 $0x88, s3;
	s6 =	simm.s32 @!p1 $0x1082;
	[sflag:s4] =	ssyncset.s32 $0xFFFFF086  }
0x25: {  	[simem:s6], [sflag:s4] =	dma.local [hbm:s3], $0xF7A  }
0x26: {  	[smem:$0x3F9B] =	sst s1;
	(tag) =	ssettag s2;
	_ =	strace s9  }
0x27: {  	s1 =	sld [smem:$0x3FAB]  }
0x28: {  	s2 =	sld [smem:$0x3FAC]  }
0x29: {  	s4 =	sld [smem:$0x3FAE]  }
0x2a: {  	p0 =	seq.s32 s5, $0x0;
	s5 =	sld [smem:$0x3FAF]  }
0x2b: {  	s6 =	sld [smem:$0x3FB0]  }
0x2c: {  	s7 =	sld [smem:$0x3FB1]  }
0x2d: {  	s3 =	simm.s32 $0x108;
	s8 =	sld [smem:$0x3FB2]  }
0x2e: {  	s3 =	simm.s32 @!p0 $0x1082;
	s9 =	sld [smem:$0x3FB3]  }
0x2f: {  	lr =	sadd.s32 s0, s3;
	s0 =	sld [smem:$0x3FAA]  }
0x30: {  	s3 =	sld [smem:$0x3FAD]  }
0x31: {  	[smem:$0x3FB6] =	sst s10  }
0x32: {  	s10 =	sld [smem:$0x3FB4];
	_ =	sdelay $0x3  }
0x33: {  	p0 =	seq.s32 s10, $0x1;
	s10 =	sld [smem:$0x3FB6];
	_ =	sdelay $0x3  }
0x34: {  	[smem:$0x3FB6] =	sst s10  }
0x35: {  	s10 =	sld [smem:$0x3FB5];
	_ =	sdelay $0x3  }
0x36: {  	p1 =	seq.s32 s10, $0x1;
	s10 =	sld [smem:$0x3FB6];
	_ =	sdelay $0x3  }
0x37: {  	[smem:$0x3FB6] =	sst s10  }
0x38: {  	s10 =	sld [smem:$0x3FB7]  }
0x39: {  	_ = 	snop;
	(pc) =	sbr.ind lr, $3  }
0x3a: {  	_ = 	snop  }
0x3b: {  	_ = 	snop  }
0x3c: {  	p2 =	seq.s32 s10, $0x1;
	s10 =	sld [smem:$0x3FB6]  }
0x3d: {  	_ =	shalt  }
0x3e: {  	_ =	shalt  }
0x3f: {  	_ =	shalt  }
0x40: {  	_ =	shalt  }
0x41: {  	_ =	shalt  }
0x42: {  	_ =	shalt  }
0x43: {  	_ =	shalt  }
0x44: {  	_ =	shalt  }
0x45: {  	_ =	shalt  }
0x46: {  	_ =	shalt  }
0x47: {  	_ =	shalt  }
0x48: {  	_ =	shalt  }
0x49: {  	_ =	shalt  }
0x4a: {  	_ =	shalt  }
0x4b: {  	_ =	shalt  }
0x4c: {  	_ =	shalt  }
0x4d: {  	_ =	shalt  }
0x4e: {  	_ =	shalt  }
0x4f: {  	_ =	shalt  }
0x50: {  	_ =	shalt  }
0x51: {  	_ =	shalt  }
0x52: {  	_ =	shalt  }
0x53: {  	_ =	shalt  }
0x54: {  	_ =	shalt  }
0x55: {  	_ =	shalt  }
0x56: {  	_ =	shalt  }
0x57: {  	_ =	shalt  }
0x58: {  	_ =	shalt  }
0x59: {  	_ =	shalt  }
0x5a: {  	_ =	shalt  }
0x5b: {  	_ =	shalt  }
0x5c: {  	_ =	shalt  }
0x5d: {  	_ =	shalt  }
0x5e: {  	_ =	shalt  }
0x5f: {  	_ =	shalt  }
0x60: {  	_ =	shalt  }
0x61: {  	_ =	shalt  }
0x62: {  	_ =	shalt  }
0x63: {  	_ =	shalt  }
0x64: {  	_ =	shalt  }
0x65: {  	_ =	shalt  }
0x66: {  	_ =	shalt  }
0x67: {  	_ =	shalt  }
0x68: {  	_ =	shalt  }
0x69: {  	_ =	shalt  }
0x6a: {  	_ =	shalt  }
0x6b: {  	_ =	shalt  }
0x6c: {  	_ =	shalt  }
0x6d: {  	_ =	shalt  }
0x6e: {  	_ =	shalt  }
0x6f: {  	_ =	shalt  }
0x70: {  	_ =	shalt  }
0x71: {  	_ =	shalt  }
0x72: {  	_ =	shalt  }
0x73: {  	_ =	shalt  }
0x74: {  	_ =	shalt  }
0x75: {  	_ =	shalt  }
0x76: {  	_ =	shalt  }
0x77: {  	_ =	shalt  }
0x78: {  	_ =	shalt  }
0x79: {  	_ =	shalt  }
0x7a: {  	_ =	shalt  }
0x7b: {  	_ =	shalt  }
0x7c: {  	_ =	shalt  }
0x7d: {  	_ =	shalt  }
0x7e: {  	_ =	shalt  }
0x7f: {  	_ =	shalt  }
0x80: {  	_ =	shalt  }
0x81: {  	_ =	shalt  }
0x82: {  	_ =	shalt  }
0x83: {  	_ =	shalt  }
0x84: {  	_ =	shalt  }
0x85: {  	_ =	shalt  }
0x86: {  	_ =	shalt  }
0x87: {  	_ =	shalt  }
.Lfunc_end0:
.L_simem_size_0:
called_computation_lowered:
.L_overlay_start_0:
0x88: {  	s2 =	sld [smem:$0x3FD9]  }
0x89: {  	s3 =	sld [smem:$0x3FFE];
	_ =	sdelay $0x1  }
0x8a: {  	s1 =	srdreg.scid  }
0x8b: {  	s0 =	sand.u32 $0x1, s1  }
0x8c: {  	s14 =	sshll.u32 s0, $0xA;
	s2 =	sadd.s32 s3, s2  }
0x8d: {  	s2 =	sadd.s32 s2, s14  }
0x8e: {  	[smem:$0x3FC2] =	sst s2  }
0x8f: {  	_ = 	snop  }
0x90: {  	s2 =	sld [smem:$0x3FD0];
	_ =	sdelay $0x2  }
0x91: {  	s15 =	simm.s32 $0xA;
	s4 =	simm.s32 $0x10  }
0x92: {  	[smem:s4], [sflag:s15] =	dma.local [hbm:s2], $0x1  }
0x93: {  	_ =	swait.eq [sflag:s15], $0x1  }
0x94: {  	[sflag:s15] =	ssyncset.done $0x0  }
0x95: {  	[sflag:s15] =	ssyncadd.s32 $0xFFFFFFFF  }
0x96: {  	s16 =	sld [smem:$0x11];
	(tm) =	ssettm $0x1  }
0x97: {  	s17 =	sld [smem:$0x3FFB];
	_ =	sdelay $0x3  }
0x98: {  	_ =	strace s17  }
0x99: {  	s3 =	sld [smem:$0x3FFC];
	_ =	sdelay $0x3  }
0x9a: {  	_ =	strace s3  }
0x9b: {  	s3 =	sld [smem:$0x3FFD];
	_ =	sdelay $0x3  }
0x9c: {  	_ =	strace s3  }
0x9d: {  	_ =	strace $0x8FFFFFFF  }
0x9e: {  	s18 =	sld [smem:$0x3FDB];
	_ =	sdelay $0x1  }
0x9f: {  	s19 =	simm.s32 $_scs_section_size  }
0xa0: {  	s5 =	simm.s32 $_size__tile_overlayer_lowered;
	s6 =	simm.s32 $_tile_overlayer_lowered  }
0xa1: {  	s22 =	simm.s32 $0x1BFF;
	s21 =	sshll.u32 s6, $0x1;
	s3 =	sadd.s32 s19, s18  }
0xa2: {  	s7 =	simm.s32 $0x0;
	s20 =	sshll.u32 s5, $0x1;
	s5 =	sadd.s32 s21, s3  }
0xa3: {  	[timem:s7], [sflag:s22] =	dma.local [hbm:s5], s20  }
0xa4: {  	_ =	swait.ge [sflag:s22], s20  }
0xa5: {  	s4 =	ssub.s32 $0x0, s20;
	[sflag:s22] =	ssyncset.done $0x0  }
0xa6: {  	[sflag:s22] =	ssyncadd.s32 s4;
	_ =	sdelay $0x1  }
0xa7: {  	s23 =	simm.s32 $0x1B8B  }
0xa8: {  	_ =	swait.ge [sflag:s23], $0x1  }
0xa9: {  	[sflag:s23] =	ssyncset.done $0x0  }
0xaa: {  	s25 =	simm.s32 $0x1B8E;
	s24 =	sld [smem:$0x3FFE];
	[sflag:s23] =	ssyncadd.s32 $0xFFFFFFFF  }
0xab: {  	s26 =	simm.s32 $execute0_lowered;
	[smem:$0x3FD2] =	sst s25  }
0xac: {  	s5 =	sshll.u32 s26, $0x1;
	_ =	strace $0x80000046;
	[dreg:$0x1] =	wrdreg $0xFFFFFFFF  }
0xad: {  	s28 =	simm.s32 $_size_execute0_lowered;
	s3 =	sadd.s32 s3, s5;
	[dreg:$0x0] =	wrdreg $0x0  }
0xae: {  	s5 =	sshll.u32 s28, $0x1;
	[dreg:$0x2] =	wrdreg s3  }
0xaf: {  	[dreg:$0x3] =	wrdreg s5  }
0xb0: {  	[dreg:$0x4] =	wrdreg $0xC0  }
0xb1: {  	_ =	task [dreg:s7], $0x5FFFF  }
0xb2: {  	[dreg:$0x1] =	wrdreg $0xFFFFFFFF  }
0xb3: {  	[dreg:$0x0] =	wrdreg $0x60  }
0xb4: {  	[dreg:$0x2] =	wrdreg s24  }
0xb5: {  	[dreg:$0x3] =	wrdreg s16  }
0xb6: {  	[dreg:$0x4] =	wrdreg $0x9  }
0xb7: {  	_ =	task.clear_ibuf [dreg:s7], $0x5FFFF;
	_ =	strace $0x90000046  }
0xb8: {  	s29 =	simm.s32 $0x9;
	_ =	strace $0x80000048  }
0xb9: {  	_ =	swait.ge [sflag:s29], $0x1  }
0xba: {  	[sflag:s29] =	ssyncadd.s32 $0xFFFFFFFF  }
0xbb: {  	_ =	strace $0x90000048  }
0xbc: {  	_ =	sfence  }
0xbd: {  	s30 =	sld [smem:$0x0];
	_ =	sdelay $0x2  }
0xbe: {  	s31 =	sshll.u32 s1, $0xD;
	s1 =	sshrl.u32 s1, $0x2  }
0xbf: {  	s3 =	sand.u32 $0x4000, s31;
	s1 =	sadd.s32 s1, s30  }
0xc0: {  	s0 =	sor.u32 s3, s0;
	s1 =	sshll.u32 s1, $0x11  }
0xc1: {  	s0 =	sor.u32 s1, s0  }
0xc2: {  	s0 =	sadd.s32 $0x8F2B, s0  }
0xc3: {  	[sflag:s0] =	ssyncadd.remote.s32 $0x1  }
0xc4: {  	_ =	sfence.sel $0xFFFF  }
0xc5: {  	[dreg:$0x0] =	wrdreg $0xFFFFFFFF;
	(pc) =	sbr.abs _section_cstart, $3  }
0xc6: {  	[dreg:$0x1] =	wrdreg $0xFFFFFFFF  }
0xc7: {  	_ =	task.clear_ibuf [dreg:s7], $0x2FFFF;
	_ =	strace $0x9FFFFFFF  }
0xc8: {  	(tm) =	ssettm $0x7FFFFFFF  }
0xc9: {  	_ =	shalt  }
tec
execute0_lowered:
.L_overlay_start_1:
0x0: {  	(tag) =	ssettag $0x1  }
0x1: {  	s4 =	rddreg [dreg:$0x0]  }
0x2: {  	s5 =	rddreg [dreg:$0x1]  }
0x3: {  	s0 =	rddreg [dreg:$0x2]  }
0x4: {  	s1 =	stileid.u32;
	s3 =	srdreg.scid  }
0x5: {  	s2 =	simm.s32 $0x0;
	s11 =	simm.s32 $0x5900;
	s12 =	simm.s32 $0x7900  }
0x6: {  	s13 =	simm.s32 $0x9900;
	s14 =	simm.s32 $0xB900;
	s15 =	simm.s32 $0xD900  }
0x7: {  	s16 =	simm.s32 $0xF900;
	s17 =	simm.s32 $0x11900;
	s18 =	simm.s32 $0x13900  }
0x8: {  	s19 =	simm.s32 $0x1;
	s20 =	simm.s32 $0x0;
	s6 =	sand.u32 $0x1, s3  }
0x9: {  	s30 =	sshll.u32 s1, $0x1;
	[smem:$0x7FF] =	sst s2;
	s7 =	smul.u32 $0x19000, s1  }
0xa: {  	s3 =	sor.u32 s6, s30;
	s8 =	ssub.s32 $0x2, s6;
	s6 =	smul.u32 $0xC800, s6  }
0xb: {  	_ =	strace $0x80000047;
	s9 =	smul.u32 $0x1900, s3;
	s10 =	sshrl.u32 s8, $0x1  }
0xc: {  	s3 =	sadd.s32 $0x1400, s4;
	s7 =	sadd.s32 s7, s4;
	s8 =	ssub.s32 s8, s10  }
0xd: {  	s6 =	sadd.s32 s6, s7;
	s7 =	simm.s32 $0x2;
	s10 =	simm.s32 $0x3900  }
0xe: {  	s31 =	sshrl.u32 s9, $0x3;
	s6 =	sadd.s32 $0x7A2600, s6;
	s9 =	simm.s32 $0x1900  }
0xf: {  	s4 =	sadd.s32 s5, s31;
	s5 =	smax.u32 s8, $0x1;
	s8 =	simm.s32 $0x80  }
.LBB2_1:
0x10: {  	[tilespmem:s2], [sflag:$0x2] =	stream.linear.gather [hbm4b:s4+s2], $0x1900, $0x38;
	[tilespmem:$0x15900] =	vst v63  }
0x11: {  	_ =	swait.ge [sflag:s7], $0x1900  }
0x12: {  	[sflag:s7] =	ssyncset.done $0x0  }
0x13: {  	s21 =	simm.s32 $0x0;
	[sflag:s7] =	ssyncadd.s32 $0xFFFFE700  }
0x14: {  	[tilespmem:s9], [sflag:$0x1] =	stream.indirect.gather [hbm4b:s3+s8], $0x40, s21, s8, $0xb8;
	[tilespmem:$0x15900] =	vst v63  }
0x15: {  	s22 =	simm.s32 $0x80  }
0x16: {  	[tilespmem:s10], [sflag:$0x1] =	stream.indirect.gather [hbm4b:s3+s8], $0x40, s22, s8, $0xb8;
	[tilespmem:$0x15900] =	vst v63  }
0x17: {  	s23 =	simm.s32 $0x100  }
0x18: {  	[tilespmem:s11], [sflag:$0x1] =	stream.indirect.gather [hbm4b:s3+s8], $0x40, s23, s8, $0xb8;
	[tilespmem:$0x15900] =	vst v63  }
0x19: {  	s24 =	simm.s32 $0x180  }
0x1a: {  	[tilespmem:s12], [sflag:$0x1] =	stream.indirect.gather [hbm4b:s3+s8], $0x40, s24, s8, $0xb8;
	[tilespmem:$0x15900] =	vst v63  }
0x1b: {  	s25 =	simm.s32 $0x200  }
0x1c: {  	[tilespmem:s13], [sflag:$0x1] =	stream.indirect.gather [hbm4b:s3+s8], $0x40, s25, s8, $0xb8;
	[tilespmem:$0x15900] =	vst v63  }
0x1d: {  	s26 =	simm.s32 $0x280  }
0x1e: {  	[tilespmem:s14], [sflag:$0x1] =	stream.indirect.gather [hbm4b:s3+s8], $0x40, s26, s8, $0xb8;
	[tilespmem:$0x15900] =	vst v63  }
0x1f: {  	s28 =	simm.s32 $0x300  }
0x20: {  	[tilespmem:s15], [sflag:$0x1] =	stream.indirect.gather [hbm4b:s3+s8], $0x40, s28, s8, $0xb8;
	[tilespmem:$0x15900] =	vst v63  }
0x21: {  	s29 =	simm.s32 $0x380  }
0x22: {  	[tilespmem:s16], [sflag:$0x1] =	stream.indirect.gather [hbm4b:s3+s8], $0x40, s29, s8, $0xb8;
	[tilespmem:$0x15900] =	vst v63  }
0x23: {  	s30 =	simm.s32 $0x400  }
0x24: {  	[tilespmem:s17], [sflag:$0x1] =	stream.indirect.gather [hbm4b:s3+s8], $0x40, s30, s8, $0xb8;
	[tilespmem:$0x15900] =	vst v63  }
0x25: {  	s31 =	simm.s32 $0x480  }
0x26: {  	[tilespmem:s18], [sflag:$0x1] =	stream.indirect.gather [hbm4b:s3+s8], $0x40, s31, s8, $0xb8;
	[tilespmem:$0x15900] =	vst v63  }
0x27: {  	_ =	swait.ge [sflag:s19], $0x2000  }
0x28: {  	[sflag:s19] =	ssyncset.done $0x0  }
0x29: {  	[sflag:s19] =	ssyncadd.s32 $0xFFFFE000  }
0x2a: {  	_ =	swait.ge [sflag:s19], $0x2000  }
0x2b: {  	[sflag:s19] =	ssyncset.done $0x0  }
0x2c: {  	[sflag:s19] =	ssyncadd.s32 $0xFFFFE000  }
0x2d: {  	_ =	swait.ge [sflag:s19], $0x2000  }
0x2e: {  	[sflag:s19] =	ssyncset.done $0x0  }
0x2f: {  	[sflag:s19] =	ssyncadd.s32 $0xFFFFE000  }
0x30: {  	_ =	swait.ge [sflag:s19], $0x2000  }
0x31: {  	[sflag:s19] =	ssyncset.done $0x0  }
0x32: {  	[sflag:s19] =	ssyncadd.s32 $0xFFFFE000  }
0x33: {  	_ =	swait.ge [sflag:s19], $0x2000  }
0x34: {  	[sflag:s19] =	ssyncset.done $0x0  }
0x35: {  	[sflag:s19] =	ssyncadd.s32 $0xFFFFE000  }
0x36: {  	_ =	swait.ge [sflag:s19], $0x2000  }
0x37: {  	[sflag:s19] =	ssyncset.done $0x0  }
0x38: {  	[sflag:s19] =	ssyncadd.s32 $0xFFFFE000  }
0x39: {  	_ =	swait.ge [sflag:s19], $0x2000  }
0x3a: {  	[sflag:s19] =	ssyncset.done $0x0  }
0x3b: {  	[sflag:s19] =	ssyncadd.s32 $0xFFFFE000  }
0x3c: {  	_ =	swait.ge [sflag:s19], $0x2000  }
0x3d: {  	[sflag:s19] =	ssyncset.done $0x0  }
0x3e: {  	[sflag:s19] =	ssyncadd.s32 $0xFFFFE000  }
0x3f: {  	_ =	swait.ge [sflag:s19], $0x2000  }
0x40: {  	[sflag:s19] =	ssyncset.done $0x0  }
0x41: {  	[sflag:s19] =	ssyncadd.s32 $0xFFFFE000  }
0x42: {  	_ =	swait.ge [sflag:s19], $0x2000  }
0x43: {  	[sflag:s19] =	ssyncset.done $0x0  }
0x44: {  	[sflag:s19] =	ssyncadd.s32 $0xFFFFE000  }
0x45: {  	[hbm4b:s6+s2] =	stream.linear.scatter [tilespmem:s9], [sflag:$0x2], $0x14000, $0x38;
	[tilespmem:$0x15900] =	vst v63  }
0x46: {  	s21 =	sadd.s32 $0x2800, s6;
	_ =	swait.ge [sflag:s7], $0x14000  }
0x47: {  	s22 =	simm.s32 $0x1400;
	s24 =	simm.s32 $0x2800;
	[sflag:s7] =	ssyncset.done $0x0  }
.LBB2_2:
0x48: {  	s25 =	sshra.s32 s22, $0x2  }
0x49: {  	[sflag:s7] =	ssyncadd.s32 $0xFFFEC000;
	s22 =	smov.u32 s24;
	s23 =	sadd.s32 $0x1400, s24  }
0x4a: {  	[tilespmem:s9], [sflag:$0x1] =	stream.indirect.gather [hbm4b:s3+s8], $0x40, s25, s8, $0xb8;
	[tilespmem:$0x15900] =	vst v63  }
0x4b: {  	p0 =	sne.s32 s24, $0x5000;
	s24 =	sadd.s32 $0x80, s25  }
0x4c: {  	[tilespmem:s10], [sflag:$0x1] =	stream.indirect.gather [hbm4b:s3+s8], $0x40, s24, s8, $0xb8;
	[tilespmem:$0x15900] =	vst v63  }
0x4d: {  	s24 =	sadd.s32 $0x100, s25  }
0x4e: {  	[tilespmem:s11], [sflag:$0x1] =	stream.indirect.gather [hbm4b:s3+s8], $0x40, s24, s8, $0xb8;
	[tilespmem:$0x15900] =	vst v63  }
0x4f: {  	s24 =	sadd.s32 $0x180, s25  }
0x50: {  	[tilespmem:s12], [sflag:$0x1] =	stream.indirect.gather [hbm4b:s3+s8], $0x40, s24, s8, $0xb8;
	[tilespmem:$0x15900] =	vst v63  }
0x51: {  	s24 =	sadd.s32 $0x200, s25  }
0x52: {  	[tilespmem:s13], [sflag:$0x1] =	stream.indirect.gather [hbm4b:s3+s8], $0x40, s24, s8, $0xb8;
	[tilespmem:$0x15900] =	vst v63  }
0x53: {  	s24 =	sadd.s32 $0x280, s25  }
0x54: {  	[tilespmem:s14], [sflag:$0x1] =	stream.indirect.gather [hbm4b:s3+s8], $0x40, s24, s8, $0xb8;
	[tilespmem:$0x15900] =	vst v63  }
0x55: {  	s24 =	sadd.s32 $0x300, s25  }
0x56: {  	[tilespmem:s15], [sflag:$0x1] =	stream.indirect.gather [hbm4b:s3+s8], $0x40, s24, s8, $0xb8;
	[tilespmem:$0x15900] =	vst v63  }
0x57: {  	s24 =	sadd.s32 $0x380, s25  }
0x58: {  	[tilespmem:s16], [sflag:$0x1] =	stream.indirect.gather [hbm4b:s3+s8], $0x40, s24, s8, $0xb8;
	[tilespmem:$0x15900] =	vst v63  }
0x59: {  	s24 =	sadd.s32 $0x400, s25  }
0x5a: {  	[tilespmem:s17], [sflag:$0x1] =	stream.indirect.gather [hbm4b:s3+s8], $0x40, s24, s8, $0xb8;
	[tilespmem:$0x15900] =	vst v63  }
0x5b: {  	s24 =	sadd.s32 $0x480, s25  }
0x5c: {  	[tilespmem:s18], [sflag:$0x1] =	stream.indirect.gather [hbm4b:s3+s8], $0x40, s24, s8, $0xb8;
	[tilespmem:$0x15900] =	vst v63  }
0x5d: {  	_ =	swait.ge [sflag:s19], $0x2000  }
0x5e: {  	[sflag:s19] =	ssyncset.done $0x0  }
0x5f: {  	[sflag:s19] =	ssyncadd.s32 $0xFFFFE000  }
0x60: {  	_ =	swait.ge [sflag:s19], $0x2000  }
0x61: {  	[sflag:s19] =	ssyncset.done $0x0  }
0x62: {  	[sflag:s19] =	ssyncadd.s32 $0xFFFFE000  }
0x63: {  	_ =	swait.ge [sflag:s19], $0x2000  }
0x64: {  	[sflag:s19] =	ssyncset.done $0x0  }
0x65: {  	[sflag:s19] =	ssyncadd.s32 $0xFFFFE000  }
0x66: {  	_ =	swait.ge [sflag:s19], $0x2000  }
0x67: {  	[sflag:s19] =	ssyncset.done $0x0  }
0x68: {  	[sflag:s19] =	ssyncadd.s32 $0xFFFFE000  }
0x69: {  	_ =	swait.ge [sflag:s19], $0x2000  }
0x6a: {  	[sflag:s19] =	ssyncset.done $0x0  }
0x6b: {  	[sflag:s19] =	ssyncadd.s32 $0xFFFFE000  }
0x6c: {  	_ =	swait.ge [sflag:s19], $0x2000  }
0x6d: {  	[sflag:s19] =	ssyncset.done $0x0  }
0x6e: {  	[sflag:s19] =	ssyncadd.s32 $0xFFFFE000  }
0x6f: {  	_ =	swait.ge [sflag:s19], $0x2000  }
0x70: {  	[sflag:s19] =	ssyncset.done $0x0  }
0x71: {  	[sflag:s19] =	ssyncadd.s32 $0xFFFFE000  }
0x72: {  	_ =	swait.ge [sflag:s19], $0x2000  }
0x73: {  	[sflag:s19] =	ssyncset.done $0x0  }
0x74: {  	[sflag:s19] =	ssyncadd.s32 $0xFFFFE000  }
0x75: {  	_ =	swait.ge [sflag:s19], $0x2000  }
0x76: {  	[sflag:s19] =	ssyncset.done $0x0  }
0x77: {  	[sflag:s19] =	ssyncadd.s32 $0xFFFFE000  }
0x78: {  	_ =	swait.ge [sflag:s19], $0x2000  }
.Ltmp0:
0x79: {  	[sflag:s19] =	ssyncset.done $0x0;
	(pc) =	sbr.rel @p0 .LBB2_2-.Ltmp0, $4  }
0x7a: {  	[sflag:s19] =	ssyncadd.s32 $0xFFFFE000  }
0x7b: {  	[hbm4b:s21+s2] =	stream.linear.scatter [tilespmem:s9], [sflag:$0x2], $0x14000, $0x38;
	[tilespmem:$0x15900] =	vst v63  }
0x7c: {  	_ =	swait.ge [sflag:s7], $0x14000  }
0x7d: {  	s24 =	smov.u32 s23;
	s21 =	sadd.s32 $0x2800, s21;
	[sflag:s7] =	ssyncset.done $0x0  }
0x7e: {  	s22 =	sshra.s32 s22, $0x2;
	[sflag:s7] =	ssyncadd.s32 $0xFFFEC000  }
0x7f: {  	[tilespmem:s9], [sflag:$0x1] =	stream.indirect.gather [hbm4b:s3+s8], $0x40, s22, s8, $0xb8;
	[tilespmem:$0x15900] =	vst v63  }
0x80: {  	s23 =	sadd.s32 $0x80, s22  }
0x81: {  	[tilespmem:s10], [sflag:$0x1] =	stream.indirect.gather [hbm4b:s3+s8], $0x40, s23, s8, $0xb8;
	[tilespmem:$0x15900] =	vst v63  }
0x82: {  	s24 =	sadd.s32 $0x100, s22  }
0x83: {  	[tilespmem:s11], [sflag:$0x1] =	stream.indirect.gather [hbm4b:s3+s8], $0x40, s24, s8, $0xb8;
	[tilespmem:$0x15900] =	vst v63  }
0x84: {  	s25 =	sadd.s32 $0x180, s22  }
0x85: {  	[tilespmem:s12], [sflag:$0x1] =	stream.indirect.gather [hbm4b:s3+s8], $0x40, s25, s8, $0xb8;
	[tilespmem:$0x15900] =	vst v63  }
0x86: {  	s26 =	sadd.s32 $0x200, s22  }
0x87: {  	[tilespmem:s13], [sflag:$0x1] =	stream.indirect.gather [hbm4b:s3+s8], $0x40, s26, s8, $0xb8;
	[tilespmem:$0x15900] =	vst v63  }
0x88: {  	s28 =	sadd.s32 $0x280, s22  }
0x89: {  	[tilespmem:s14], [sflag:$0x1] =	stream.indirect.gather [hbm4b:s3+s8], $0x40, s28, s8, $0xb8;
	[tilespmem:$0x15900] =	vst v63  }
0x8a: {  	s29 =	sadd.s32 $0x300, s22  }
0x8b: {  	[tilespmem:s15], [sflag:$0x1] =	stream.indirect.gather [hbm4b:s3+s8], $0x40, s29, s8, $0xb8;
	[tilespmem:$0x15900] =	vst v63  }
0x8c: {  	s30 =	sadd.s32 $0x380, s22  }
0x8d: {  	[tilespmem:s16], [sflag:$0x1] =	stream.indirect.gather [hbm4b:s3+s8], $0x40, s30, s8, $0xb8;
	[tilespmem:$0x15900] =	vst v63  }
0x8e: {  	s31 =	sadd.s32 $0x400, s22  }
0x8f: {  	[tilespmem:s17], [sflag:$0x1] =	stream.indirect.gather [hbm4b:s3+s8], $0x40, s31, s8, $0xb8;
	[tilespmem:$0x15900] =	vst v63  }
0x90: {  	s22 =	sadd.s32 $0x480, s22  }
0x91: {  	[tilespmem:s18], [sflag:$0x1] =	stream.indirect.gather [hbm4b:s3+s8], $0x40, s22, s8, $0xb8;
	[tilespmem:$0x15900] =	vst v63  }
0x92: {  	_ =	swait.ge [sflag:s19], $0x2000  }
0x93: {  	[sflag:s19] =	ssyncset.done $0x0  }
0x94: {  	[sflag:s19] =	ssyncadd.s32 $0xFFFFE000  }
0x95: {  	_ =	swait.ge [sflag:s19], $0x2000  }
0x96: {  	[sflag:s19] =	ssyncset.done $0x0  }
0x97: {  	[sflag:s19] =	ssyncadd.s32 $0xFFFFE000  }
0x98: {  	_ =	swait.ge [sflag:s19], $0x2000  }
0x99: {  	[sflag:s19] =	ssyncset.done $0x0  }
0x9a: {  	[sflag:s19] =	ssyncadd.s32 $0xFFFFE000  }
0x9b: {  	_ =	swait.ge [sflag:s19], $0x2000  }
0x9c: {  	[sflag:s19] =	ssyncset.done $0x0  }
0x9d: {  	[sflag:s19] =	ssyncadd.s32 $0xFFFFE000  }
0x9e: {  	_ =	swait.ge [sflag:s19], $0x2000  }
0x9f: {  	[sflag:s19] =	ssyncset.done $0x0  }
0xa0: {  	[sflag:s19] =	ssyncadd.s32 $0xFFFFE000  }
0xa1: {  	_ =	swait.ge [sflag:s19], $0x2000  }
0xa2: {  	[sflag:s19] =	ssyncset.done $0x0  }
0xa3: {  	[sflag:s19] =	ssyncadd.s32 $0xFFFFE000  }
0xa4: {  	_ =	swait.ge [sflag:s19], $0x2000  }
0xa5: {  	[sflag:s19] =	ssyncset.done $0x0  }
0xa6: {  	[sflag:s19] =	ssyncadd.s32 $0xFFFFE000  }
0xa7: {  	_ =	swait.ge [sflag:s19], $0x2000  }
0xa8: {  	[sflag:s19] =	ssyncset.done $0x0  }
0xa9: {  	[sflag:s19] =	ssyncadd.s32 $0xFFFFE000  }
0xaa: {  	_ =	swait.ge [sflag:s19], $0x2000  }
0xab: {  	[sflag:s19] =	ssyncset.done $0x0  }
0xac: {  	[sflag:s19] =	ssyncadd.s32 $0xFFFFE000  }
0xad: {  	s20 =	sadd.s32 $0x1, s20;
	_ =	swait.ge [sflag:s19], $0x2000  }
0xae: {  	p0 =	sne.s32 s20, s5;
	[sflag:s19] =	ssyncset.done $0x0  }
.Ltmp1:
0xaf: {  	[sflag:s19] =	ssyncadd.s32 $0xFFFFE000;
	(pc) =	sbr.rel @p0 .LBB2_1-.Ltmp1, $4  }
0xb0: {  	[hbm4b:s21+s2] =	stream.linear.scatter [tilespmem:s9], [sflag:$0x2], $0x14000, $0x38;
	[tilespmem:$0x15900] =	vst v63  }
0xb1: {  	_ =	swait.ge [sflag:s7], $0x14000  }
0xb2: {  	[sflag:s7] =	ssyncset.done $0x0  }
0xb3: {  	[sflag:s7] =	ssyncadd.s32 $0xFFFEC000  }
0xb4: {  	_ =	sfence.sel $0x180000  }
0xb5: {  	[bflag:$0x0] =	sbarrier.arrive $0xFFFF  }
0xb6: {  	p0 =	sne.s32 s1, $0x0;
	_ =	strace $0x90000047  }
0xb7: {  	s0 =	sadd.s32 @!p0 $0x100000, s0;
	[bflag:$0x2] =	sbarrier.arrive $0xFFFF  }
0xb8: {  	[sflag:s0] =	ssyncadd.tile.s32 @!p0 $0x1;
	_ =	shalt  }
.Lfunc_end2:
_tile_overlayer_lowered:
.L_overlay_start_2:
0xb9: {  	(tag) =	ssettag $0x2  }
0xba: {  	s0 =	rddreg [dreg:$0x0];
	s2 =	stileid.u32  }
0xbb: {  	s1 =	rddreg [dreg:$0x1];
	p0 =	sne.s32 s2, $0x0  }
0xbc: {  	s3 =	rddreg [dreg:$0x2];
	[bflag:$0x3] =	sbarrier.arrive $0xFFFF;
	s2 =	simm.s32 @!p0 $0x1C02  }
0xbd: {  	[timem:s3], [sflag:s2] =	dma.local @!p0 [hbm:s0], s1  }
0xbe: {  	s0 =	simm.s32 @!p0 $0x2  }
0xbf: {  	_ =	swait.ge @!p0 [sflag:s0], s1  }
0xc0: {  	s1 =	ssub.s32 @!p0 $0x0, s1;
	[sflag:s0] =	ssyncset.done @!p0 $0x0  }
0xc1: {  	[sflag:s0] =	ssyncadd.s32 @!p0 s1  }
0xc2: {  	[bflag:$0x3] =	sbarrier.arrive $0xFFFF  }
0xc3: {  	_ =	shalt  }

</sc_bundles>
